<compile_context>
chip_gen: v7x
topology: tpu7x:2x2x1
jax: 0.10.2.dev20260603
libtpu: 0.0.44.dev20260713+nightly
codegen_flags: <defaults>
</compile_context>

<pallas_src>
import functools

import jax
import jax.numpy as jnp
from jax import lax
from jax.experimental import pallas as pl
from jax.experimental.pallas import tpu as pltpu
from jax.experimental.pallas import tpu_sc as plsc


TILE = 128
_SC_MESH = dict(core_axis_name="c", subcore_axis_name="s")


def _sc_worker_id():
    return lax.axis_index("s") * 2 + lax.axis_index("c")


def _sc_dispatch(x_flat, wts_rep, out_pos, n_slots):
    n, h = x_flat.shape
    nw = 32
    chunk = n // nw

    @functools.partial(
        pl.kernel,
        mesh=plsc.VectorSubcoreMesh(**_SC_MESH),
        out_type=(
            jax.ShapeDtypeStruct((n_slots, h), x_flat.dtype),
            jax.ShapeDtypeStruct((n_slots, 128), wts_rep.dtype),
        ),
        scratch_types=[
            pltpu.VMEM((chunk,), jnp.int32),
            pltpu.VMEM((chunk, h), x_flat.dtype),
            pltpu.VMEM((chunk, 128), wts_rep.dtype),
        ],
    )
    def k(x_hbm, w_hbm, pos_hbm, xs_hbm, ws_hbm, pos_v, rows_v, wrow_v):
        base = _sc_worker_id() * chunk
        pltpu.sync_copy(pos_hbm.at[pl.ds(base, chunk)], pos_v)
        pltpu.sync_copy(x_hbm.at[pl.ds(base, chunk)], rows_v)
        pltpu.sync_copy(w_hbm.at[pl.ds(base, chunk)], wrow_v)
        pltpu.sync_copy(rows_v, xs_hbm.at[pos_v])
        pltpu.sync_copy(wrow_v, ws_hbm.at[pos_v])

    return k(x_flat, wts_rep, out_pos)


def _sc_combine(y_slots, out_pos, n):
    _, h = y_slots.shape
    nw = 32
    chunk = n // nw

    @functools.partial(
        pl.kernel,
        mesh=plsc.VectorSubcoreMesh(**_SC_MESH),
        out_type=jax.ShapeDtypeStruct((n, h), y_slots.dtype),
        scratch_types=[
            pltpu.VMEM((chunk,), jnp.int32),
            pltpu.VMEM((chunk, h), y_slots.dtype),
        ],
    )
    def k(ys_hbm, pos_hbm, out_hbm, pos_v, rows_v):
        base = _sc_worker_id() * chunk
        pltpu.sync_copy(pos_hbm.at[pl.ds(base, chunk)], pos_v)
        pltpu.sync_copy(ys_hbm.at[pos_v], rows_v)
        pltpu.sync_copy(rows_v, out_hbm.at[pl.ds(base, chunk)])

    return k(y_slots, out_pos)


def _ffn_tile_kernel(meta_ref, x_ref, w_ref, gate_ref, up_ref, down_ref,
                     out_ref, *, max_tiles):
    j = pl.program_id(0)
    num_tiles = meta_ref[max_tiles]

    @pl.when(j < num_tiles)
    def _():
        x = x_ref[...]
        g = jax.lax.dot_general(
            x, gate_ref[0], (((1,), (1,)), ((), ())),
            preferred_element_type=jnp.float32)
        u = jax.lax.dot_general(
            x, up_ref[0], (((1,), (1,)), ((), ())),
            preferred_element_type=jnp.float32)
        inter = g * jax.nn.sigmoid(g) * u
        y = jax.lax.dot_general(
            inter, down_ref[0], (((1,), (1,)), ((), ())),
            preferred_element_type=jnp.float32)
        out_ref[...] = y * w_ref[:, :1]


def _grouped_ffn(x_slots, w_slots, meta, gate_proj, up_proj, down_proj,
                 max_tiles):
    n_slots, h = x_slots.shape
    e, ff, _ = gate_proj.shape
    return pl.pallas_call(
        functools.partial(_ffn_tile_kernel, max_tiles=max_tiles),
        grid_spec=pltpu.PrefetchScalarGridSpec(
            num_scalar_prefetch=1,
            grid=(max_tiles,),
            in_specs=[
                pl.BlockSpec((TILE, h), lambda j, m: (j, 0)),
                pl.BlockSpec((TILE, 128), lambda j, m: (j, 0)),
                pl.BlockSpec((1, ff, h), lambda j, m: (m[j], 0, 0)),
                pl.BlockSpec((1, ff, h), lambda j, m: (m[j], 0, 0)),
                pl.BlockSpec((1, h, ff), lambda j, m: (m[j], 0, 0)),
            ],
            out_specs=pl.BlockSpec((TILE, h), lambda j, m: (j, 0)),
        ),
        out_shape=jax.ShapeDtypeStruct((n_slots, h), jnp.float32),
        compiler_params=pltpu.CompilerParams(
            dimension_semantics=("arbitrary",)),
    )(meta, x_slots, w_slots, gate_proj, up_proj, down_proj)


def kernel(x, expert_indices, expert_weights, gate_proj, up_proj, down_proj):
    b, s, h = x.shape
    e, ff, _ = gate_proj.shape
    topk = expert_indices.shape[-1]
    n = b * s * topk
    max_tiles = n // TILE + e
    n_slots = max_tiles * TILE

    x_flat = x.reshape(-1, h)
    idx_flat = expert_indices.reshape(-1).astype(jnp.int32)
    wts_flat = expert_weights.reshape(-1)

    eids = jnp.arange(e, dtype=jnp.int32)
    onehot = (idx_flat[:, None] == eids[None, :]).astype(jnp.int32)
    rows = jnp.arange(n, dtype=jnp.int32)
    tri = (rows[:, None] >= rows[None, :]).astype(jnp.bfloat16)
    cum = jax.lax.dot_general(
        tri, onehot.astype(jnp.bfloat16), (((1,), (0,)), ((), ())),
        preferred_element_type=jnp.float32)
    counts = cum[-1].astype(jnp.int32)
    rank = (jnp.sum(cum * onehot, axis=1) - 1).astype(jnp.int32)
    starts = jnp.cumsum(counts) - counts
    ends = starts + counts
    tiles_per_e = (counts + TILE - 1) // TILE
    tile_cum = jnp.cumsum(tiles_per_e)
    tile_off = tile_cum - tiles_per_e
    num_tiles = tile_cum[-1]

    def pick(vec):
        return jnp.sum(onehot * vec[None, :], axis=1)

    starts_t = pick(starts)
    ends_t = pick(ends)
    tile_off_t = pick(tile_off)
    kk = rank // TILE
    jj = tile_off_t + kk
    wstart_t = jnp.maximum(0, jnp.minimum(starts_t + kk * TILE, ends_t - TILE))
    out_pos = (jj * TILE + starts_t + rank - wstart_t).astype(jnp.int32)

    tile_ids = jnp.arange(max_tiles, dtype=jnp.int32)
    te = jnp.sum((tile_cum[None, :] <= tile_ids[:, None]).astype(jnp.int32),
                 axis=1)
    te_c = jnp.minimum(te, e - 1)
    last_e = jnp.max(jnp.where(counts > 0, eids, -1))
    tile_expert = jnp.where(tile_ids < num_tiles, te_c, last_e)
    meta = jnp.concatenate(
        [tile_expert, num_tiles[None]]).astype(jnp.int32)

    wts_rep = jnp.broadcast_to(wts_flat[:, None], (n, 128))
    x_slots, w_slots16 = _sc_dispatch(x_flat, wts_rep, out_pos, n_slots)

    y_slots = _grouped_ffn(x_slots, w_slots16, meta, gate_proj, up_proj,
                           down_proj, max_tiles)

    gathered = _sc_combine(y_slots, out_pos, n)
    if topk > 1:
        gathered = gathered.reshape(b * s, topk, h).sum(axis=1)
    return gathered.reshape(b, s, h)

# --- scband reference (transcript-rebuilt; emitter-appended) ---
"""Pipeline reference for scband-model-new-4647154615121 (READ-ONLY COPY).

The authoritative reference and input builder live on the scoring server;
editing this copy changes nothing except your own understanding.
"""

import jax, jax.numpy as jnp
import numpy as np

B, S, H = 1, 2048, 768
FF = 1536
E = 64
TOPK = 1


def setup_inputs(seed: int = 0) -> dict:
    key = jax.random.key(seed)
    ks = jax.random.split(key, 6)
    x = jax.random.normal(ks[0], (B, S, H), dtype=jnp.float32)
    expert_indices = jax.random.randint(ks[1], (B, S, TOPK), 0, E)
    expert_weights = jax.random.uniform(ks[2], (B, S, TOPK), dtype=jnp.float32)
    gate_proj = jax.random.normal(ks[3], (E, FF, H), dtype=jnp.float32) * 0.02
    up_proj = jax.random.normal(ks[4], (E, FF, H), dtype=jnp.float32) * 0.02
    down_proj = jax.random.normal(ks[5], (E, H, FF), dtype=jnp.float32) * 0.02
    return {
        "x": x,
        "expert_indices": expert_indices,
        "expert_weights": expert_weights,
        "gate_proj": gate_proj,
        "up_proj": up_proj,
        "down_proj": down_proj,
    }


def reference(x, expert_indices, expert_weights, gate_proj, up_proj, down_proj):
    b_, s_, h_ = x.shape
    x_flat = x.reshape(-1, h_)
    output = jnp.zeros_like(x_flat)
    n_experts = gate_proj.shape[0]

    def body(e, output):
        sel = expert_indices == e
        w = jnp.sum(jnp.where(sel, expert_weights, 0.0), axis=-1).reshape(-1)
        gate = jax.nn.silu(x_flat @ gate_proj[e].T)
        up = x_flat @ up_proj[e].T
        intermediate = gate * up
        expert_out = intermediate @ down_proj[e].T
        return output + expert_out * w[:, None]

    output = jax.lax.fori_loop(0, n_experts, body, output)
    return output.reshape(b_, s_, h_)

if __name__ == "__main__":
    import jax
    _d = setup_inputs()
    print(jax.jit(kernel)(*tuple(_d.values())))

</pallas_src>

<mosaic_0001>
#map = affine_map<(d0, d1) -> (0, 0)>
#map1 = affine_map<(d0, d1) -> (0)>
module attributes {stable_mosaic.version = 14 : i64} {
  func.func @k(%arg0: i32, %arg1: i32, %arg2: memref<2048x768xf32, #tpu.memory_space<hbm>>, %arg3: memref<2048x128xf32, #tpu.memory_space<hbm>>, %arg4: memref<2048xi32, #tpu.memory_space<hbm>>, %arg5: memref<10240x768xf32, #tpu.memory_space<hbm>>, %arg6: memref<10240x128xf32, #tpu.memory_space<hbm>>, %arg7: memref<64xi32, #tpu.memory_space<vmem>>, %arg8: memref<64x768xf32, #tpu.memory_space<vmem>>, %arg9: memref<64x128xf32, #tpu.memory_space<vmem>>) attributes {dimension_semantics = [#tpu.dimension_semantics<core_parallel>, #tpu.dimension_semantics<subcore_parallel>], iteration_bounds = array<i64: 2, 16>, scalar_prefetch = 0 : i64, scratch_operands = 3 : i64, tpu.core_type = #tpu.core_type<sc_vector_subcore>, window_params = [{transform_indices = #map}, {transform_indices = #map}, {transform_indices = #map1}, {transform_indices = #map}, {transform_indices = #map}]} {
    %mul3A = arith.constant 2 : i32
    %mul3A_0 = arith.muli %arg1, %mul3A : i32
    %add3A = arith.addi %mul3A_0, %arg0 : i32
    %mul3A_1 = arith.constant 64 : i32
    %mul3A_2 = arith.muli %add3A, %mul3A_1 : i32
    "tpu.region"() ({
      %run_scoped3A = tpu.sem_alloc : memref<!tpu.dma_semaphore, #tpu.memory_space<semaphore_mem>>
      %dma_start3A = tpu.memref_slice %arg4[%mul3A_2] : memref<2048xi32, #tpu.memory_space<hbm>> -> memref<64xi32, #tpu.memory_space<hbm>>
      %dma_start3A_3 = tpu.memref_slice %arg4[%mul3A_2] : memref<2048xi32, #tpu.memory_space<hbm>> -> memref<64xi32, #tpu.memory_space<hbm>>
      tpu.enqueue_dma source(%dma_start3A_3 : memref<64xi32, #tpu.memory_space<hbm>>) target(%arg7 : memref<64xi32, #tpu.memory_space<vmem>>) target_semaphore(%run_scoped3A : memref<!tpu.dma_semaphore, #tpu.memory_space<semaphore_mem>>)
      %dma_wait3A = tpu.memref_slice %arg4[%mul3A_2] : memref<2048xi32, #tpu.memory_space<hbm>> -> memref<64xi32, #tpu.memory_space<hbm>>
      %dma_wait3A_4 = tpu.memref_slice %arg4[%mul3A_2] : memref<2048xi32, #tpu.memory_space<hbm>> -> memref<64xi32, #tpu.memory_space<hbm>>
      tpu.wait_dma2 semaphore(%run_scoped3A : memref<!tpu.dma_semaphore, #tpu.memory_space<semaphore_mem>>) src(%dma_wait3A_4 : memref<64xi32, #tpu.memory_space<hbm>>) dst(%arg7 : memref<64xi32, #tpu.memory_space<vmem>>)
      tpu.yield
    }) : () -> ()
    "tpu.region"() ({
      %run_scoped3A = tpu.sem_alloc : memref<!tpu.dma_semaphore, #tpu.memory_space<semaphore_mem>>
      %dma_start3A = arith.constant 0 : i32
      %dma_start3A_3 = tpu.memref_slice %arg2[%mul3A_2, %dma_start3A] : memref<2048x768xf32, #tpu.memory_space<hbm>> -> memref<64x768xf32, #tpu.memory_space<hbm>>
      %dma_start3A_4 = arith.constant 0 : i32
      %dma_start3A_5 = tpu.memref_slice %arg2[%mul3A_2, %dma_start3A_4] : memref<2048x768xf32, #tpu.memory_space<hbm>> -> memref<64x768xf32, #tpu.memory_space<hbm>>
      tpu.enqueue_dma source(%dma_start3A_5 : memref<64x768xf32, #tpu.memory_space<hbm>>) target(%arg8 : memref<64x768xf32, #tpu.memory_space<vmem>>) target_semaphore(%run_scoped3A : memref<!tpu.dma_semaphore, #tpu.memory_space<semaphore_mem>>)
      %dma_wait3A = arith.constant 0 : i32
      %dma_wait3A_6 = tpu.memref_slice %arg2[%mul3A_2, %dma_wait3A] : memref<2048x768xf32, #tpu.memory_space<hbm>> -> memref<64x768xf32, #tpu.memory_space<hbm>>
      %dma_wait3A_7 = arith.constant 0 : i32
      %dma_wait3A_8 = tpu.memref_slice %arg2[%mul3A_2, %dma_wait3A_7] : memref<2048x768xf32, #tpu.memory_space<hbm>> -> memref<64x768xf32, #tpu.memory_space<hbm>>
      tpu.wait_dma2 semaphore(%run_scoped3A : memref<!tpu.dma_semaphore, #tpu.memory_space<semaphore_mem>>) src(%dma_wait3A_8 : memref<64x768xf32, #tpu.memory_space<hbm>>) dst(%arg8 : memref<64x768xf32, #tpu.memory_space<vmem>>)
      tpu.yield
    }) : () -> ()
    "tpu.region"() ({
      %run_scoped3A = tpu.sem_alloc : memref<!tpu.dma_semaphore, #tpu.memory_space<semaphore_mem>>
      %dma_start3A = arith.constant 0 : i32
      %dma_start3A_3 = tpu.memref_slice %arg3[%mul3A_2, %dma_start3A] : memref<2048x128xf32, #tpu.memory_space<hbm>> -> memref<64x128xf32, #tpu.memory_space<hbm>>
      %dma_start3A_4 = arith.constant 0 : i32
      %dma_start3A_5 = tpu.memref_slice %arg3[%mul3A_2, %dma_start3A_4] : memref<2048x128xf32, #tpu.memory_space<hbm>> -> memref<64x128xf32, #tpu.memory_space<hbm>>
      tpu.enqueue_dma source(%dma_start3A_5 : memref<64x128xf32, #tpu.memory_space<hbm>>) target(%arg9 : memref<64x128xf32, #tpu.memory_space<vmem>>) target_semaphore(%run_scoped3A : memref<!tpu.dma_semaphore, #tpu.memory_space<semaphore_mem>>)
      %dma_wait3A = arith.constant 0 : i32
      %dma_wait3A_6 = tpu.memref_slice %arg3[%mul3A_2, %dma_wait3A] : memref<2048x128xf32, #tpu.memory_space<hbm>> -> memref<64x128xf32, #tpu.memory_space<hbm>>
      %dma_wait3A_7 = arith.constant 0 : i32
      %dma_wait3A_8 = tpu.memref_slice %arg3[%mul3A_2, %dma_wait3A_7] : memref<2048x128xf32, #tpu.memory_space<hbm>> -> memref<64x128xf32, #tpu.memory_space<hbm>>
      tpu.wait_dma2 semaphore(%run_scoped3A : memref<!tpu.dma_semaphore, #tpu.memory_space<semaphore_mem>>) src(%dma_wait3A_8 : memref<64x128xf32, #tpu.memory_space<hbm>>) dst(%arg9 : memref<64x128xf32, #tpu.memory_space<vmem>>)
      tpu.yield
    }) : () -> ()
    "tpu.region"() ({
      %run_scoped3A = tpu.sem_alloc : memref<!tpu.dma_semaphore, #tpu.memory_space<semaphore_mem>>
      %dma_start3A = arith.constant 0 : i32
      %dma_start3A_3 = arith.constant 0 : i32
      %dma_start3A_4 = tpu.memref_slice %arg5[%dma_start3A, %dma_start3A_3] : memref<10240x768xf32, #tpu.memory_space<hbm>> -> memref<10240x768xf32, #tpu.memory_space<hbm>>
      tpu.enqueue_indirect_dma source(%arg8 : memref<64x768xf32, #tpu.memory_space<vmem>>) target(%dma_start3A_4 : memref<10240x768xf32, #tpu.memory_space<hbm>>) offsets(%arg7 : memref<64xi32, #tpu.memory_space<vmem>>) semaphore(%run_scoped3A : memref<!tpu.dma_semaphore, #tpu.memory_space<semaphore_mem>>)
      %dma_wait3A = arith.constant 0 : i32
      %dma_wait3A_5 = arith.constant 0 : i32
      %dma_wait3A_6 = tpu.memref_slice %arg5[%dma_wait3A, %dma_wait3A_5] : memref<10240x768xf32, #tpu.memory_space<hbm>> -> memref<10240x768xf32, #tpu.memory_space<hbm>>
      tpu.wait_indirect_dma semaphore(%run_scoped3A : memref<!tpu.dma_semaphore, #tpu.memory_space<semaphore_mem>>) src(%arg8 : memref<64x768xf32, #tpu.memory_space<vmem>>) dst(%dma_wait3A_6 : memref<10240x768xf32, #tpu.memory_space<hbm>>)
      tpu.yield
    }) : () -> ()
    "tpu.region"() ({
      %run_scoped3A = tpu.sem_alloc : memref<!tpu.dma_semaphore, #tpu.memory_space<semaphore_mem>>
      %dma_start3A = arith.constant 0 : i32
      %dma_start3A_3 = arith.constant 0 : i32
      %dma_start3A_4 = tpu.memref_slice %arg6[%dma_start3A, %dma_start3A_3] : memref<10240x128xf32, #tpu.memory_space<hbm>> -> memref<10240x128xf32, #tpu.memory_space<hbm>>
      tpu.enqueue_indirect_dma source(%arg9 : memref<64x128xf32, #tpu.memory_space<vmem>>) target(%dma_start3A_4 : memref<10240x128xf32, #tpu.memory_space<hbm>>) offsets(%arg7 : memref<64xi32, #tpu.memory_space<vmem>>) semaphore(%run_scoped3A : memref<!tpu.dma_semaphore, #tpu.memory_space<semaphore_mem>>)
      %dma_wait3A = arith.constant 0 : i32
      %dma_wait3A_5 = arith.constant 0 : i32
      %dma_wait3A_6 = tpu.memref_slice %arg6[%dma_wait3A, %dma_wait3A_5] : memref<10240x128xf32, #tpu.memory_space<hbm>> -> memref<10240x128xf32, #tpu.memory_space<hbm>>
      tpu.wait_indirect_dma semaphore(%run_scoped3A : memref<!tpu.dma_semaphore, #tpu.memory_space<semaphore_mem>>) src(%arg9 : memref<64x128xf32, #tpu.memory_space<vmem>>) dst(%dma_wait3A_6 : memref<10240x128xf32, #tpu.memory_space<hbm>>)
      tpu.yield
    }) : () -> ()
    return
  }
}

#map = affine_map<(d0, d1) -> (0, 0)>
#map1 = affine_map<(d0, d1) -> (0)>
module attributes {stable_mosaic.version = 14 : i64} {
  func.func @k(%arg0: i32, %arg1: i32, %arg2: memref<10240x768xf32, #tpu.memory_space<hbm>>, %arg3: memref<2048xi32, #tpu.memory_space<hbm>>, %arg4: memref<2048x768xf32, #tpu.memory_space<hbm>>, %arg5: memref<64xi32, #tpu.memory_space<vmem>>, %arg6: memref<64x768xf32, #tpu.memory_space<vmem>>) attributes {dimension_semantics = [#tpu.dimension_semantics<core_parallel>, #tpu.dimension_semantics<subcore_parallel>], iteration_bounds = array<i64: 2, 16>, scalar_prefetch = 0 : i64, scratch_operands = 2 : i64, tpu.core_type = #tpu.core_type<sc_vector_subcore>, window_params = [{transform_indices = #map}, {transform_indices = #map1}, {transform_indices = #map}]} {
    %mul3A = arith.constant 2 : i32
    %mul3A_0 = arith.muli %arg1, %mul3A : i32
    %add3A = arith.addi %mul3A_0, %arg0 : i32
    %mul3A_1 = arith.constant 64 : i32
    %mul3A_2 = arith.muli %add3A, %mul3A_1 : i32
    "tpu.region"() ({
      %run_scoped3A = tpu.sem_alloc : memref<!tpu.dma_semaphore, #tpu.memory_space<semaphore_mem>>
      %dma_start3A = tpu.memref_slice %arg3[%mul3A_2] : memref<2048xi32, #tpu.memory_space<hbm>> -> memref<64xi32, #tpu.memory_space<hbm>>
      %dma_start3A_3 = tpu.memref_slice %arg3[%mul3A_2] : memref<2048xi32, #tpu.memory_space<hbm>> -> memref<64xi32, #tpu.memory_space<hbm>>
      tpu.enqueue_dma source(%dma_start3A_3 : memref<64xi32, #tpu.memory_space<hbm>>) target(%arg5 : memref<64xi32, #tpu.memory_space<vmem>>) target_semaphore(%run_scoped3A : memref<!tpu.dma_semaphore, #tpu.memory_space<semaphore_mem>>)
      %dma_wait3A = tpu.memref_slice %arg3[%mul3A_2] : memref<2048xi32, #tpu.memory_space<hbm>> -> memref<64xi32, #tpu.memory_space<hbm>>
      %dma_wait3A_4 = tpu.memref_slice %arg3[%mul3A_2] : memref<2048xi32, #tpu.memory_space<hbm>> -> memref<64xi32, #tpu.memory_space<hbm>>
      tpu.wait_dma2 semaphore(%run_scoped3A : memref<!tpu.dma_semaphore, #tpu.memory_space<semaphore_mem>>) src(%dma_wait3A_4 : memref<64xi32, #tpu.memory_space<hbm>>) dst(%arg5 : memref<64xi32, #tpu.memory_space<vmem>>)
      tpu.yield
    }) : () -> ()
    "tpu.region"() ({
      %run_scoped3A = tpu.sem_alloc : memref<!tpu.dma_semaphore, #tpu.memory_space<semaphore_mem>>
      %dma_start3A = arith.constant 0 : i32
      %dma_start3A_3 = arith.constant 0 : i32
      %dma_start3A_4 = tpu.memref_slice %arg2[%dma_start3A, %dma_start3A_3] : memref<10240x768xf32, #tpu.memory_space<hbm>> -> memref<10240x768xf32, #tpu.memory_space<hbm>>
      tpu.enqueue_indirect_dma source(%dma_start3A_4 : memref<10240x768xf32, #tpu.memory_space<hbm>>) target(%arg6 : memref<64x768xf32, #tpu.memory_space<vmem>>) offsets(%arg5 : memref<64xi32, #tpu.memory_space<vmem>>) semaphore(%run_scoped3A : memref<!tpu.dma_semaphore, #tpu.memory_space<semaphore_mem>>)
      %dma_wait3A = arith.constant 0 : i32
      %dma_wait3A_5 = arith.constant 0 : i32
      %dma_wait3A_6 = tpu.memref_slice %arg2[%dma_wait3A, %dma_wait3A_5] : memref<10240x768xf32, #tpu.memory_space<hbm>> -> memref<10240x768xf32, #tpu.memory_space<hbm>>
      tpu.wait_indirect_dma semaphore(%run_scoped3A : memref<!tpu.dma_semaphore, #tpu.memory_space<semaphore_mem>>) src(%dma_wait3A_6 : memref<10240x768xf32, #tpu.memory_space<hbm>>) dst(%arg6 : memref<64x768xf32, #tpu.memory_space<vmem>>)
      tpu.yield
    }) : () -> ()
    "tpu.region"() ({
      %run_scoped3A = tpu.sem_alloc : memref<!tpu.dma_semaphore, #tpu.memory_space<semaphore_mem>>
      %dma_start3A = arith.constant 0 : i32
      %dma_start3A_3 = tpu.memref_slice %arg4[%mul3A_2, %dma_start3A] : memref<2048x768xf32, #tpu.memory_space<hbm>> -> memref<64x768xf32, #tpu.memory_space<hbm>>
      %dma_start3A_4 = arith.constant 0 : i32
      %dma_start3A_5 = tpu.memref_slice %arg4[%mul3A_2, %dma_start3A_4] : memref<2048x768xf32, #tpu.memory_space<hbm>> -> memref<64x768xf32, #tpu.memory_space<hbm>>
      tpu.enqueue_dma source(%arg6 : memref<64x768xf32, #tpu.memory_space<vmem>>) target(%dma_start3A_5 : memref<64x768xf32, #tpu.memory_space<hbm>>) target_semaphore(%run_scoped3A : memref<!tpu.dma_semaphore, #tpu.memory_space<semaphore_mem>>)
      %dma_wait3A = arith.constant 0 : i32
      %dma_wait3A_6 = tpu.memref_slice %arg4[%mul3A_2, %dma_wait3A] : memref<2048x768xf32, #tpu.memory_space<hbm>> -> memref<64x768xf32, #tpu.memory_space<hbm>>
      %dma_wait3A_7 = arith.constant 0 : i32
      %dma_wait3A_8 = tpu.memref_slice %arg4[%mul3A_2, %dma_wait3A_7] : memref<2048x768xf32, #tpu.memory_space<hbm>> -> memref<64x768xf32, #tpu.memory_space<hbm>>
      tpu.wait_dma2 semaphore(%run_scoped3A : memref<!tpu.dma_semaphore, #tpu.memory_space<semaphore_mem>>) src(%arg6 : memref<64x768xf32, #tpu.memory_space<vmem>>) dst(%dma_wait3A_8 : memref<64x768xf32, #tpu.memory_space<hbm>>)
      tpu.yield
    }) : () -> ()
    return
  }
}

module attributes {stable_mosaic.version = 14 : i64} {
  func.func @_ffn_tile_kernel(%arg0: i32, %arg1: memref<81xi32, #tpu.memory_space<smem>>, %arg2: memref<128x768xf32, #tpu.memory_space<vmem>>, %arg3: memref<128x128xf32, #tpu.memory_space<vmem>>, %arg4: memref<1x1536x768xf32, #tpu.memory_space<vmem>>, %arg5: memref<1x1536x768xf32, #tpu.memory_space<vmem>>, %arg6: memref<1x768x1536xf32, #tpu.memory_space<vmem>>, %arg7: memref<128x768xf32, #tpu.memory_space<vmem>>) attributes {dimension_semantics = [#tpu.dimension_semantics<arbitrary>], iteration_bounds = array<i64: 80>, scalar_prefetch = 1 : i64, scratch_operands = 0 : i64, tpu.core_type = #tpu.core_type<tc>, window_params = [{transform_indices = @transform_0, window_bounds = array<i64: 128, 768>}, {transform_indices = @transform_1, window_bounds = array<i64: 128, 128>}, {transform_indices = @transform_2, window_bounds = array<i64: 1, 1536, 768>}, {transform_indices = @transform_3, window_bounds = array<i64: 1, 1536, 768>}, {transform_indices = @transform_4, window_bounds = array<i64: 1, 768, 1536>}, {transform_indices = @transform_5, window_bounds = array<i64: 128, 768>}]} {
    %get3A = arith.constant 80 : index
    %get3A_0 = memref.load %arg1[%get3A] : memref<81xi32, #tpu.memory_space<smem>>
    %lt3A = arith.cmpi slt, %arg0, %get3A_0 : i32
    %convert_element_type3A = arith.extui %lt3A : i1 to i32
    %cond3A = arith.constant 0 : i32
    %cond3A_1 = arith.cmpi ne, %convert_element_type3A, %cond3A : i32
    scf.if %cond3A_1 {
      %get3A_2 = arith.constant 0 : index
      %get3A_3 = arith.constant 0 : index
      %get3A_4 = vector.load %arg2[%get3A_2, %get3A_3] : memref<128x768xf32, #tpu.memory_space<vmem>>, vector<128x768xf32>
      %get3A_5 = arith.constant 0 : index
      %get3A_6 = arith.constant 0 : index
      %get3A_7 = arith.constant 0 : index
      %get3A_8 = vector.load %arg4[%get3A_5, %get3A_6, %get3A_7] : memref<1x1536x768xf32, #tpu.memory_space<vmem>>, vector<1x1536x768xf32>
      %get3A_9 = vector.shape_cast %get3A_8 : vector<1x1536x768xf32> to vector<1536x768xf32>
      %dot_general3A = arith.constant dense<0.000000e+00> : vector<128x1536xf32>
      %dot_general3A_10 = tpu.matmul %get3A_4, %get3A_9, %dot_general3A {dimension_numbers = #tpu.dot_dimension_numbers<[1], [1], [0], [0], [0, 0, 1, 0], [], []>, transpose_lhs_hint = false} : vector<128x768xf32>, vector<1536x768xf32>, vector<128x1536xf32> -> vector<128x1536xf32>
      %get3A_11 = arith.constant 0 : index
      %get3A_12 = arith.constant 0 : index
      %get3A_13 = arith.constant 0 : index
      %get3A_14 = vector.load %arg5[%get3A_11, %get3A_12, %get3A_13] : memref<1x1536x768xf32, #tpu.memory_space<vmem>>, vector<1x1536x768xf32>
      %get3A_15 = vector.shape_cast %get3A_14 : vector<1x1536x768xf32> to vector<1536x768xf32>
      %dot_general3A_16 = arith.constant dense<0.000000e+00> : vector<128x1536xf32>
      %dot_general3A_17 = tpu.matmul %get3A_4, %get3A_15, %dot_general3A_16 {dimension_numbers = #tpu.dot_dimension_numbers<[1], [1], [0], [0], [0, 0, 1, 0], [], []>, transpose_lhs_hint = false} : vector<128x768xf32>, vector<1536x768xf32>, vector<128x1536xf32> -> vector<128x1536xf32>
      %logistic3A = arith.negf %dot_general3A_10 : vector<128x1536xf32>
      %logistic3A_18 = math.exp %logistic3A : vector<128x1536xf32>
      %logistic3A_19 = arith.constant 1.000000e+00 : f32
      %logistic3A_20 = vector.broadcast %logistic3A_19 : f32 to vector<128x1536xf32>
      %logistic3A_21 = arith.addf %logistic3A_20, %logistic3A_18 : vector<128x1536xf32>
      %logistic3A_22 = arith.divf %logistic3A_20, %logistic3A_21 : vector<128x1536xf32>
      %mul3A = arith.mulf %dot_general3A_10, %logistic3A_22 : vector<128x1536xf32>
      %mul3A_23 = arith.mulf %mul3A, %dot_general3A_17 : vector<128x1536xf32>
      %get3A_24 = arith.constant 0 : index
      %get3A_25 = arith.constant 0 : index
      %get3A_26 = arith.constant 0 : index
      %get3A_27 = vector.load %arg6[%get3A_24, %get3A_25, %get3A_26] : memref<1x768x1536xf32, #tpu.memory_space<vmem>>, vector<1x768x1536xf32>
      %get3A_28 = vector.shape_cast %get3A_27 : vector<1x768x1536xf32> to vector<768x1536xf32>
      %dot_general3A_29 = arith.constant dense<0.000000e+00> : vector<128x768xf32>
      %dot_general3A_30 = tpu.matmul %mul3A_23, %get3A_28, %dot_general3A_29 {dimension_numbers = #tpu.dot_dimension_numbers<[1], [1], [0], [0], [0, 0, 1, 0], [], []>, transpose_lhs_hint = false} : vector<128x1536xf32>, vector<768x1536xf32>, vector<128x768xf32> -> vector<128x768xf32>
      %get3A_31 = arith.constant 0 : index
      %get3A_32 = arith.constant 0 : index
      %get3A_33 = vector.load %arg3[%get3A_31, %get3A_32] : memref<128x128xf32, #tpu.memory_space<vmem>>, vector<128x1xf32>
      %mul3A_34 = vector.broadcast %get3A_33 : vector<128x1xf32> to vector<128x768xf32>
      %mul3A_35 = arith.mulf %dot_general3A_30, %mul3A_34 : vector<128x768xf32>
      %swap3A = arith.constant 0 : index
      %swap3A_36 = arith.constant 0 : index
      %swap3A_37 = vector.load %arg7[%swap3A, %swap3A_36] : memref<128x768xf32, #tpu.memory_space<vmem>>, vector<128x768xf32>
      tpu.vector_store %arg7[%swap3A, %swap3A_36], %mul3A_35 {strides = array<i32>} : memref<128x768xf32, #tpu.memory_space<vmem>>, vector<128x768xf32>,
    } else {
    }
    return
  }
  func.func @transform_0(%arg0: i32, %arg1: memref<81xi32, #tpu.memory_space<smem>>) -> (i32, i32) {
    %c0_i32 = arith.constant 0 : i32
    %c0_i32_0 = arith.constant 0 : i32
    return %arg0, %c0_i32 : i32, i32
  }
  func.func @transform_1(%arg0: i32, %arg1: memref<81xi32, #tpu.memory_space<smem>>) -> (i32, i32) {
    %c0_i32 = arith.constant 0 : i32
    %c0_i32_0 = arith.constant 0 : i32
    return %arg0, %c0_i32 : i32, i32
  }
  func.func @transform_2(%arg0: i32, %arg1: memref<81xi32, #tpu.memory_space<smem>>) -> (i32, i32, i32) {
    %get3A = arith.index_cast %arg0 : i32 to index
    %get3A_0 = memref.load %arg1[%get3A] : memref<81xi32, #tpu.memory_space<smem>>
    %c0_i32 = arith.constant 0 : i32
    %c0_i32_1 = arith.constant 0 : i32
    %c0_i32_2 = arith.constant 0 : i32
    return %get3A_0, %c0_i32, %c0_i32_1 : i32, i32, i32
  }
  func.func @transform_3(%arg0: i32, %arg1: memref<81xi32, #tpu.memory_space<smem>>) -> (i32, i32, i32) {
    %get3A = arith.index_cast %arg0 : i32 to index
    %get3A_0 = memref.load %arg1[%get3A] : memref<81xi32, #tpu.memory_space<smem>>
    %c0_i32 = arith.constant 0 : i32
    %c0_i32_1 = arith.constant 0 : i32
    %c0_i32_2 = arith.constant 0 : i32
    return %get3A_0, %c0_i32, %c0_i32_1 : i32, i32, i32
  }
  func.func @transform_4(%arg0: i32, %arg1: memref<81xi32, #tpu.memory_space<smem>>) -> (i32, i32, i32) {
    %get3A = arith.index_cast %arg0 : i32 to index
    %get3A_0 = memref.load %arg1[%get3A] : memref<81xi32, #tpu.memory_space<smem>>
    %c0_i32 = arith.constant 0 : i32
    %c0_i32_1 = arith.constant 0 : i32
    %c0_i32_2 = arith.constant 0 : i32
    return %get3A_0, %c0_i32, %c0_i32_1 : i32, i32, i32
  }
  func.func @transform_5(%arg0: i32, %arg1: memref<81xi32, #tpu.memory_space<smem>>) -> (i32, i32) {
    %c0_i32 = arith.constant 0 : i32
    %c0_i32_0 = arith.constant 0 : i32
    return %arg0, %c0_i32 : i32, i32
  }
}

</mosaic_0001>

<sc_bundles>
// kernel: kernel.5.cloned.1.call-start
scs
__scs_entry_jumppad:
0x0: {  	(pc) =	sbr.rel $0x88, $3  }
0x1: {  	(tag) =	ssettag $0x0;
	lr =	simm.s32 $0x1  }
0x2: {  	[smem:$0x3F9B] =	sst lr;
	_ =	strace $0xD0000000  }
0x3: {  	_ = 	snop  }
0x4: {  	_ = 	snop  }
0x5: {  	_ = 	snop  }
0x6: {  	_ = 	snop  }
0x7: {  	_ = 	snop  }
__scs_overlays_trampoline_lowered:
0x8: {  	[smem:$0x3FAA] =	sst s0  }
0x9: {  	[smem:$0x3FAB] =	sst s1  }
0xa: {  	[smem:$0x3FAC] =	sst s2  }
0xb: {  	[smem:$0x3FAD] =	sst s3  }
0xc: {  	[smem:$0x3FAE] =	sst s4  }
0xd: {  	[smem:$0x3FAF] =	sst s5  }
0xe: {  	[smem:$0x3FB0] =	sst s6  }
0xf: {  	[smem:$0x3FB1] =	sst s7  }
0x10: {  	[smem:$0x3FB2] =	sst s8  }
0x11: {  	[smem:$0x3FB3] =	sst s9;
	s0 =	simm.s32 @!p0 $0x0  }
0x12: {  	s1 =	sld [smem:$0x3F99];
	s0 =	simm.s32 @p0 $0x1  }
0x13: {  	[smem:$0x3FB4] =	sst s0;
	s0 =	simm.s32 @!p1 $0x0  }
0x14: {  	s2 =	sld [smem:$0x3F98];
	s0 =	simm.s32 @p1 $0x1  }
0x15: {  	[smem:$0x3FB5] =	sst s0;
	s0 =	simm.s32 @!p2 $0x0  }
0x16: {  	s3 =	sld [smem:$0x3FDB];
	s0 =	simm.s32 @p2 $0x1  }
0x17: {  	s4 =	simm.s32 $0x1BF5;
	[smem:$0x3FB7] =	sst s0  }
0x18: {  	s0 =	sld [smem:$0x3F9A];
	_ =	swait.ge [sflag:s4], $0x0  }
0x19: {  	s7 =	sld [smem:$0x3F9B]  }
0x1a: {  	s8 =	sadd.s32 $0xFFFFE003, lr  }
0x1b: {  	s9 =	sadd.s32 $0xFFFFFEF7, lr;
	s5 =	simm.s32 $0xFFFFFFFF;
	p2 =	slt.u32 s8, $0xFFFFF086  }
0x1c: {  	p1 =	slt.u32 s9, $0xF7A;
	s5 =	simm.s32 @!p2 $0x0  }
0x1d: {  	s5 =	simm.s32 @p1 $0x1;
	p0 =	seq.s32 s7, s2  }
0x1e: {  	s7 =	smul.u32 @!p0 $0xF7A, s2;
	p2 =	seq.s32 @!p0 s5, $0x0  }
0x1f: {  	s9 =	smul.u32 $0xF7A, s1;
	s8 =	simm.s32 @!p0 $0x1BF5;
	p2 =	por !p2, p0  }
0x20: {  	[sflag:s8] =	ssyncset.s32 @!p0 $0xFFFFF086;
	s6 =	sadd.s32 @!p0 s3, s7;
	s7 =	simm.s32 @!p0 $0x108  }
0x21: {  	s3 =	sadd.s32 s3, s9;
	s6 =	sadd.s32 @!p0 $0x88, s6;
	s7 =	simm.s32 @p2 $0x1082  }
0x22: {  	[simem:s7], [sflag:s8] =	dma.local @!p0 [hbm:s6], $0xF7A  }
0x23: {  	s9 =	sor.u32 $0xD0000000, s2;
	s6 =	simm.s32 $0x108;
	_ =	swait.ge @!p0 [sflag:s8], $0x0  }
0x24: {  	s3 =	sadd.s32 $0x88, s3;
	s6 =	simm.s32 @!p1 $0x1082;
	[sflag:s4] =	ssyncset.s32 $0xFFFFF086  }
0x25: {  	[simem:s6], [sflag:s4] =	dma.local [hbm:s3], $0xF7A  }
0x26: {  	[smem:$0x3F9B] =	sst s1;
	(tag) =	ssettag s2;
	_ =	strace s9  }
0x27: {  	s1 =	sld [smem:$0x3FAB]  }
0x28: {  	s2 =	sld [smem:$0x3FAC]  }
0x29: {  	s4 =	sld [smem:$0x3FAE]  }
0x2a: {  	p0 =	seq.s32 s5, $0x0;
	s5 =	sld [smem:$0x3FAF]  }
0x2b: {  	s6 =	sld [smem:$0x3FB0]  }
0x2c: {  	s7 =	sld [smem:$0x3FB1]  }
0x2d: {  	s3 =	simm.s32 $0x108;
	s8 =	sld [smem:$0x3FB2]  }
0x2e: {  	s3 =	simm.s32 @!p0 $0x1082;
	s9 =	sld [smem:$0x3FB3]  }
0x2f: {  	lr =	sadd.s32 s0, s3;
	s0 =	sld [smem:$0x3FAA]  }
0x30: {  	s3 =	sld [smem:$0x3FAD]  }
0x31: {  	[smem:$0x3FB6] =	sst s10  }
0x32: {  	s10 =	sld [smem:$0x3FB4];
	_ =	sdelay $0x3  }
0x33: {  	p0 =	seq.s32 s10, $0x1;
	s10 =	sld [smem:$0x3FB6];
	_ =	sdelay $0x3  }
0x34: {  	[smem:$0x3FB6] =	sst s10  }
0x35: {  	s10 =	sld [smem:$0x3FB5];
	_ =	sdelay $0x3  }
0x36: {  	p1 =	seq.s32 s10, $0x1;
	s10 =	sld [smem:$0x3FB6];
	_ =	sdelay $0x3  }
0x37: {  	[smem:$0x3FB6] =	sst s10  }
0x38: {  	s10 =	sld [smem:$0x3FB7]  }
0x39: {  	_ = 	snop;
	(pc) =	sbr.ind lr, $3  }
0x3a: {  	_ = 	snop  }
0x3b: {  	_ = 	snop  }
0x3c: {  	p2 =	seq.s32 s10, $0x1;
	s10 =	sld [smem:$0x3FB6]  }
0x3d: {  	_ =	shalt  }
0x3e: {  	_ =	shalt  }
0x3f: {  	_ =	shalt  }
0x40: {  	_ =	shalt  }
0x41: {  	_ =	shalt  }
0x42: {  	_ =	shalt  }
0x43: {  	_ =	shalt  }
0x44: {  	_ =	shalt  }
0x45: {  	_ =	shalt  }
0x46: {  	_ =	shalt  }
0x47: {  	_ =	shalt  }
0x48: {  	_ =	shalt  }
0x49: {  	_ =	shalt  }
0x4a: {  	_ =	shalt  }
0x4b: {  	_ =	shalt  }
0x4c: {  	_ =	shalt  }
0x4d: {  	_ =	shalt  }
0x4e: {  	_ =	shalt  }
0x4f: {  	_ =	shalt  }
0x50: {  	_ =	shalt  }
0x51: {  	_ =	shalt  }
0x52: {  	_ =	shalt  }
0x53: {  	_ =	shalt  }
0x54: {  	_ =	shalt  }
0x55: {  	_ =	shalt  }
0x56: {  	_ =	shalt  }
0x57: {  	_ =	shalt  }
0x58: {  	_ =	shalt  }
0x59: {  	_ =	shalt  }
0x5a: {  	_ =	shalt  }
0x5b: {  	_ =	shalt  }
0x5c: {  	_ =	shalt  }
0x5d: {  	_ =	shalt  }
0x5e: {  	_ =	shalt  }
0x5f: {  	_ =	shalt  }
0x60: {  	_ =	shalt  }
0x61: {  	_ =	shalt  }
0x62: {  	_ =	shalt  }
0x63: {  	_ =	shalt  }
0x64: {  	_ =	shalt  }
0x65: {  	_ =	shalt  }
0x66: {  	_ =	shalt  }
0x67: {  	_ =	shalt  }
0x68: {  	_ =	shalt  }
0x69: {  	_ =	shalt  }
0x6a: {  	_ =	shalt  }
0x6b: {  	_ =	shalt  }
0x6c: {  	_ =	shalt  }
0x6d: {  	_ =	shalt  }
0x6e: {  	_ =	shalt  }
0x6f: {  	_ =	shalt  }
0x70: {  	_ =	shalt  }
0x71: {  	_ =	shalt  }
0x72: {  	_ =	shalt  }
0x73: {  	_ =	shalt  }
0x74: {  	_ =	shalt  }
0x75: {  	_ =	shalt  }
0x76: {  	_ =	shalt  }
0x77: {  	_ =	shalt  }
0x78: {  	_ =	shalt  }
0x79: {  	_ =	shalt  }
0x7a: {  	_ =	shalt  }
0x7b: {  	_ =	shalt  }
0x7c: {  	_ =	shalt  }
0x7d: {  	_ =	shalt  }
0x7e: {  	_ =	shalt  }
0x7f: {  	_ =	shalt  }
0x80: {  	_ =	shalt  }
0x81: {  	_ =	shalt  }
0x82: {  	_ =	shalt  }
0x83: {  	_ =	shalt  }
0x84: {  	_ =	shalt  }
0x85: {  	_ =	shalt  }
0x86: {  	_ =	shalt  }
0x87: {  	_ =	shalt  }
.Lfunc_end0:
.L_simem_size_0:
called_computation_lowered:
.L_overlay_start_0:
0x88: {  	s2 =	sld [smem:$0x3FD9]  }
0x89: {  	s3 =	sld [smem:$0x3FFE];
	_ =	sdelay $0x1  }
0x8a: {  	s1 =	srdreg.scid  }
0x8b: {  	s0 =	sand.u32 $0x1, s1  }
0x8c: {  	s17 =	sshll.u32 s0, $0xA;
	s2 =	sadd.s32 s3, s2  }
0x8d: {  	s2 =	sadd.s32 s2, s17  }
0x8e: {  	[smem:$0x3FC2] =	sst s2  }
0x8f: {  	_ = 	snop  }
0x90: {  	s2 =	sld [smem:$0x3FC9]  }
0x91: {  	s18 =	sld [smem:$0x3FD0];
	(tm) =	ssettm $0x1  }
0x92: {  	s4 =	sld [smem:$0x3FFB];
	_ =	sdelay $0x3  }
0x93: {  	_ =	strace s4  }
0x94: {  	s4 =	sld [smem:$0x3FFC];
	_ =	sdelay $0x3  }
0x95: {  	_ =	strace s4  }
0x96: {  	s4 =	sld [smem:$0x3FFD];
	_ =	sdelay $0x3  }
0x97: {  	_ =	strace s4  }
0x98: {  	_ =	strace $0x8FFFFFFF  }
0x99: {  	s19 =	sld [smem:$0x3FDB];
	_ =	sdelay $0x1  }
0x9a: {  	s5 =	simm.s32 $_scs_section_size  }
0x9b: {  	s6 =	simm.s32 $_size__tile_overlayer_lowered;
	s7 =	simm.s32 $_tile_overlayer_lowered  }
0x9c: {  	s22 =	simm.s32 $0x1BFF;
	s21 =	sshll.u32 s7, $0x1;
	s4 =	sadd.s32 s5, s19  }
0x9d: {  	s8 =	simm.s32 $0x0;
	s20 =	sshll.u32 s6, $0x1;
	s6 =	sadd.s32 s21, s4  }
0x9e: {  	[timem:s8], [sflag:s22] =	dma.local [hbm:s6], s20  }
0x9f: {  	_ =	swait.ge [sflag:s22], s20  }
0xa0: {  	s5 =	ssub.s32 $0x0, s20;
	[sflag:s22] =	ssyncset.done $0x0  }
0xa1: {  	[sflag:s22] =	ssyncadd.s32 s5;
	_ =	sdelay $0x1  }
0xa2: {  	s23 =	simm.s32 $0x1B8B  }
0xa3: {  	_ =	swait.ge [sflag:s23], $0x1  }
0xa4: {  	[sflag:s23] =	ssyncset.done $0x0  }
0xa5: {  	s25 =	simm.s32 $0x1B8E;
	s24 =	sld [smem:$0x3FFE];
	[sflag:s23] =	ssyncadd.s32 $0xFFFFFFFF  }
0xa6: {  	s26 =	simm.s32 $execute0_lowered;
	[smem:$0x3FD2] =	sst s25  }
0xa7: {  	s6 =	sshll.u32 s26, $0x1;
	_ =	strace $0x80000046;
	[dreg:$0x1] =	wrdreg $0xFFFFFFFF  }
0xa8: {  	s28 =	simm.s32 $_size_execute0_lowered;
	s4 =	sadd.s32 s4, s6;
	[dreg:$0x0] =	wrdreg $0x0  }
0xa9: {  	s6 =	sshll.u32 s28, $0x1;
	[dreg:$0x2] =	wrdreg s4  }
0xaa: {  	[dreg:$0x3] =	wrdreg s6  }
0xab: {  	[dreg:$0x4] =	wrdreg $0xC0  }
0xac: {  	_ =	task [dreg:s8], $0x5FFFF  }
0xad: {  	[dreg:$0x1] =	wrdreg $0xFFFFFFFF  }
0xae: {  	[dreg:$0x0] =	wrdreg $0x60  }
0xaf: {  	[dreg:$0x2] =	wrdreg s2  }
0xb0: {  	[dreg:$0x3] =	wrdreg s24  }
0xb1: {  	[dreg:$0x4] =	wrdreg s18  }
0xb2: {  	[dreg:$0x5] =	wrdreg $0x9  }
0xb3: {  	_ =	task.clear_ibuf [dreg:s8], $0x6FFFF;
	_ =	strace $0x90000046  }
0xb4: {  	s29 =	simm.s32 $0x9;
	_ =	strace $0x80000048  }
0xb5: {  	_ =	swait.ge [sflag:s29], $0x1  }
0xb6: {  	[sflag:s29] =	ssyncadd.s32 $0xFFFFFFFF  }
0xb7: {  	_ =	strace $0x90000048  }
0xb8: {  	_ =	sfence  }
0xb9: {  	s30 =	sld [smem:$0x0];
	_ =	sdelay $0x2  }
0xba: {  	s31 =	sshll.u32 s1, $0xD;
	s1 =	sshrl.u32 s1, $0x2  }
0xbb: {  	s3 =	sand.u32 $0x4000, s31;
	s1 =	sadd.s32 s1, s30  }
0xbc: {  	s0 =	sor.u32 s3, s0;
	s1 =	sshll.u32 s1, $0x11  }
0xbd: {  	s0 =	sor.u32 s1, s0  }
0xbe: {  	s0 =	sadd.s32 $0x8F2B, s0  }
0xbf: {  	[sflag:s0] =	ssyncadd.remote.s32 $0x1  }
0xc0: {  	_ =	sfence.sel $0xFFFF  }
0xc1: {  	[dreg:$0x0] =	wrdreg $0xFFFFFFFF;
	(pc) =	sbr.abs _section_cstart, $3  }
0xc2: {  	[dreg:$0x1] =	wrdreg $0xFFFFFFFF  }
0xc3: {  	_ =	task.clear_ibuf [dreg:s8], $0x2FFFF;
	_ =	strace $0x9FFFFFFF  }
0xc4: {  	(tm) =	ssettm $0x7FFFFFFF  }
0xc5: {  	_ =	shalt  }
tec
execute0_lowered:
.L_overlay_start_1:
0x0: {  	(tag) =	ssettag $0x1  }
0x1: {  	s1 =	rddreg [dreg:$0x0]  }
0x2: {  	s5 =	rddreg [dreg:$0x1]  }
0x3: {  	s2 =	srdreg.scid;
	s3 =	rddreg [dreg:$0x2]  }
0x4: {  	s0 =	stileid.u32;
	s25 =	simm.s32 $0x880;
	s26 =	simm.s32 $0x1080  }
0x5: {  	s11 =	simm.s32 $0x2080;
	s12 =	simm.s32 $0x2880;
	s13 =	simm.s32 $0x3080  }
0x6: {  	s14 =	simm.s32 $0x3880;
	s15 =	simm.s32 $0x4080;
	s16 =	simm.s32 $0x4880  }
0x7: {  	s17 =	simm.s32 $0x5080;
	s18 =	simm.s32 $0x5880;
	s19 =	simm.s32 $0x6080  }
0x8: {  	s20 =	simm.s32 $0x6880;
	s21 =	simm.s32 $0x7080;
	s28 =	simm.s32 $0xA080  }
0x9: {  	s29 =	simm.s32 $0xA880;
	s30 =	simm.s32 $0xB080;
	s31 =	simm.s32 $0xB880  }
0xa: {  	s4 =	sand.u32 $0x1, s2;
	[dreg:$0x4] =	wrdreg s3;
	s2 =	simm.s32 $0x0  }
0xb: {  	s22 =	sshll.u32 s0, $0x7;
	s6 =	sshll.u32 s4, $0x6;
	[smem:$0x7FF] =	sst s2  }
0xc: {  	s4 =	ssub.s32 $0x2, s4;
	_ =	strace $0x80000047;
	[dreg:$0x8] =	wrdreg s25  }
0xd: {  	s3 =	sor.u32 s6, s22;
	s9 =	sshrl.u32 s4, $0x1;
	[dreg:$0x9] =	wrdreg s26  }
0xe: {  	s22 =	simm.s32 $0x7880;
	s25 =	simm.s32 $0x9080;
	s26 =	simm.s32 $0x9880  }
0xf: {  	s6 =	sshll.u32 s3, $0x4;
	s7 =	sshrl.u32 s3, $0x3;
	s3 =	sadd.s32 $0x8200, s5  }
0x10: {  	s23 =	ssub.s32 s4, s9;
	s4 =	sadd.s32 $0x8300, s5;
	s9 =	simm.s32 $0xC080  }
0x11: {  	s6 =	sadd.s32 s6, s5;
	s8 =	smul.u32 $0x300, s7;
	s7 =	sadd.s32 s5, s7  }
0x12: {  	s5 =	sadd.s32 $0x8400, s5;
	[dreg:$0x5] =	wrdreg s7;
	s24 =	sadd.s32 $0x200, s6  }
0x13: {  	v2 =	vlaneseq.u32;
	s6 =	smax.u32 s23, $0x1;
	s7 =	simm.s32 $0x1;
	s23 =	simm.s32 $0x8080  }
0x14: {  	vm0 =	vmmov $0xffff;
	v1 =	vshrl.u32 v2, $0x3;
	s1 =	sadd.s32 s1, s8;
	[dreg:$0x7] =	wrdreg s24;
	s8 =	simm.s32 $0x80  }
0x15: {  	v0 =	vand.u32 $0x7, v2;
	v2 =	vor.u32 $0x8, v2;
	v1 =	vmul.u32 $0x8, v1;
	s24 =	simm.s32 $0x8880;
	[dreg:$0x6] =	wrdreg s1;
	s1 =	simm.s32 $0x40  }
.LBB2_1:
0x16: {  	s0 =	rddreg [dreg:$0x5]  }
0x17: {  	[tilespmem:s2], [sflag:$0x1] =	stream.linear.gather [hbm4b:s0+s2], $0x40, $0x38;
	[tilespmem:$0xE080] =	vst v63  }
0x18: {  	_ =	swait.ge [sflag:s7], $0x40  }
0x19: {  	[sflag:s7] =	ssyncset.done $0x0  }
0x1a: {  	s10 =	rddreg [dreg:$0x6];
	[sflag:s7] =	ssyncadd.s32 $0xFFFFFFC0  }
0x1b: {  	[tilespmem:s8], [sflag:$0x1] =	stream.linear.gather [hbm4b:s10+s2], $0xC000, $0x38;
	[tilespmem:$0xE080] =	vst v63  }
0x1c: {  	_ =	swait.ge [sflag:s7], $0xC000  }
0x1d: {  	[sflag:s7] =	ssyncset.done $0x0  }
0x1e: {  	s10 =	rddreg [dreg:$0x7];
	[sflag:s7] =	ssyncadd.s32 $0xFFFF4000  }
0x1f: {  	[tilespmem:s9], [sflag:$0x1] =	stream.linear.gather [hbm4b:s10+s2], $0x2000, $0x38;
	[tilespmem:$0xE080] =	vst v63  }
0x20: {  	_ =	swait.ge [sflag:s7], $0x2000  }
0x21: {  	[sflag:s7] =	ssyncset.done $0x0  }
0x22: {  	[sflag:s7] =	ssyncadd.s32 $0xFFFFE000  }
0x23: {  	v3 =	vld [tilespmem:$0x0];
	_ =	sdelay $0x4  }
0x24: {  	v4 =	vshrl.u32 v3, $0x3  }
0x25: {  	v4 =	vmul.u32 $0x30, v4  }
0x26: {  	v3 =	vand.u32 $0x7, v3  }
0x27: {  	v3 =	vor.u32 v3, v4  }
0x28: {  	v4 =	vperm.xlane v3, v0;
	_ =	sdelay $0x1  }
0x29: {  	v4 =	vadd.s32 v1, v4;
	_ =	sdelay $0x3  }
0x2a: {  	v3 =	vperm.xlane v3, v2  }
0x2b: {  	[hbm4b:s3+s2] =	stream.indirect_vreg.scatter [tilespmem:s8], [sflag:$0x1], $0x80, v4, vm0, $0xb8;
	[tilespmem:$0xE080] =	vst v63  }
0x2c: {  	s0 =	rddreg [dreg:$0x8];
	v3 =	vadd.s32 v1, v3  }
0x2d: {  	[hbm4b:s4+s2] =	stream.indirect_vreg.scatter [tilespmem:s0], [sflag:$0x1], $0x80, v4, vm0, $0xb8;
	[tilespmem:$0xE080] =	vst v63  }
0x2e: {  	s10 =	rddreg [dreg:$0x9]  }
0x2f: {  	[hbm4b:s5+s2] =	stream.indirect_vreg.scatter [tilespmem:s10], [sflag:$0x1], $0x80, v4, vm0, $0xb8;
	[tilespmem:$0xE080] =	vst v63  }
0x30: {  	s10 =	simm.s32 $0x1880  }
0x31: {  	[hbm4b:s3+s2] =	stream.indirect_vreg.scatter [tilespmem:s10], [sflag:$0x1], $0x80, v3, vm0, $0xb8;
	[tilespmem:$0xE080] =	vst v63  }
0x32: {  	_ = 	snop  }
0x33: {  	[hbm4b:s4+s2] =	stream.indirect_vreg.scatter [tilespmem:s11], [sflag:$0x1], $0x80, v3, vm0, $0xb8;
	[tilespmem:$0xE080] =	vst v63  }
0x34: {  	_ = 	snop  }
0x35: {  	[hbm4b:s5+s2] =	stream.indirect_vreg.scatter [tilespmem:s12], [sflag:$0x1], $0x80, v3, vm0, $0xb8;
	[tilespmem:$0xE080] =	vst v63  }
0x36: {  	v3 =	vld [tilespmem:$0x10];
	_ =	sdelay $0x4  }
0x37: {  	v61 =	vshrl.u32 v3, $0x3  }
0x38: {  	v4 =	vmul.u32 $0x30, v61  }
0x39: {  	v3 =	vand.u32 $0x7, v3  }
0x3a: {  	v3 =	vor.u32 v3, v4  }
0x3b: {  	v4 =	vperm.xlane v3, v0;
	_ =	sdelay $0x1  }
0x3c: {  	v4 =	vadd.s32 v1, v4;
	_ =	sdelay $0x3  }
0x3d: {  	v3 =	vperm.xlane v3, v2  }
0x3e: {  	[hbm4b:s3+s2] =	stream.indirect_vreg.scatter [tilespmem:s13], [sflag:$0x1], $0x80, v4, vm0, $0xb8;
	[tilespmem:$0xE080] =	vst v63  }
0x3f: {  	v3 =	vadd.s32 v1, v3  }
0x40: {  	[hbm4b:s4+s2] =	stream.indirect_vreg.scatter [tilespmem:s14], [sflag:$0x1], $0x80, v4, vm0, $0xb8;
	[tilespmem:$0xE080] =	vst v63  }
0x41: {  	_ = 	snop  }
0x42: {  	[hbm4b:s5+s2] =	stream.indirect_vreg.scatter [tilespmem:s15], [sflag:$0x1], $0x80, v4, vm0, $0xb8;
	[tilespmem:$0xE080] =	vst v63  }
0x43: {  	_ = 	snop  }
0x44: {  	[hbm4b:s3+s2] =	stream.indirect_vreg.scatter [tilespmem:s16], [sflag:$0x1], $0x80, v3, vm0, $0xb8;
	[tilespmem:$0xE080] =	vst v63  }
0x45: {  	_ = 	snop  }
0x46: {  	[hbm4b:s4+s2] =	stream.indirect_vreg.scatter [tilespmem:s17], [sflag:$0x1], $0x80, v3, vm0, $0xb8;
	[tilespmem:$0xE080] =	vst v63  }
0x47: {  	_ = 	snop  }
0x48: {  	[hbm4b:s5+s2] =	stream.indirect_vreg.scatter [tilespmem:s18], [sflag:$0x1], $0x80, v3, vm0, $0xb8;
	[tilespmem:$0xE080] =	vst v63  }
0x49: {  	v3 =	vld [tilespmem:$0x20];
	_ =	sdelay $0x4  }
0x4a: {  	v62 =	vshrl.u32 v3, $0x3  }
0x4b: {  	v4 =	vmul.u32 $0x30, v62  }
0x4c: {  	v3 =	vand.u32 $0x7, v3  }
0x4d: {  	v3 =	vor.u32 v3, v4  }
0x4e: {  	v4 =	vperm.xlane v3, v0;
	_ =	sdelay $0x1  }
0x4f: {  	v4 =	vadd.s32 v1, v4;
	_ =	sdelay $0x3  }
0x50: {  	v3 =	vperm.xlane v3, v2  }
0x51: {  	[hbm4b:s3+s2] =	stream.indirect_vreg.scatter [tilespmem:s19], [sflag:$0x1], $0x80, v4, vm0, $0xb8;
	[tilespmem:$0xE080] =	vst v63  }
0x52: {  	v3 =	vadd.s32 v1, v3  }
0x53: {  	[hbm4b:s4+s2] =	stream.indirect_vreg.scatter [tilespmem:s20], [sflag:$0x1], $0x80, v4, vm0, $0xb8;
	[tilespmem:$0xE080] =	vst v63  }
0x54: {  	_ = 	snop  }
0x55: {  	[hbm4b:s5+s2] =	stream.indirect_vreg.scatter [tilespmem:s21], [sflag:$0x1], $0x80, v4, vm0, $0xb8;
	[tilespmem:$0xE080] =	vst v63  }
0x56: {  	_ = 	snop  }
0x57: {  	[hbm4b:s3+s2] =	stream.indirect_vreg.scatter [tilespmem:s22], [sflag:$0x1], $0x80, v3, vm0, $0xb8;
	[tilespmem:$0xE080] =	vst v63  }
0x58: {  	_ = 	snop  }
0x59: {  	[hbm4b:s4+s2] =	stream.indirect_vreg.scatter [tilespmem:s23], [sflag:$0x1], $0x80, v3, vm0, $0xb8;
	[tilespmem:$0xE080] =	vst v63  }
0x5a: {  	_ = 	snop  }
0x5b: {  	[hbm4b:s5+s2] =	stream.indirect_vreg.scatter [tilespmem:s24], [sflag:$0x1], $0x80, v3, vm0, $0xb8;
	[tilespmem:$0xE080] =	vst v63  }
0x5c: {  	v3 =	vld [tilespmem:$0x30];
	_ =	sdelay $0x4  }
0x5d: {  	v63 =	vshrl.u32 v3, $0x3  }
0x5e: {  	v4 =	vmul.u32 $0x30, v63  }
0x5f: {  	v3 =	vand.u32 $0x7, v3  }
0x60: {  	v3 =	vor.u32 v3, v4  }
0x61: {  	v4 =	vperm.xlane v3, v0;
	_ =	sdelay $0x1  }
0x62: {  	v4 =	vadd.s32 v1, v4;
	_ =	sdelay $0x3  }
0x63: {  	v3 =	vperm.xlane v3, v2  }
0x64: {  	[hbm4b:s3+s2] =	stream.indirect_vreg.scatter [tilespmem:s25], [sflag:$0x1], $0x80, v4, vm0, $0xb8;
	[tilespmem:$0xE080] =	vst v63  }
0x65: {  	v3 =	vadd.s32 v1, v3  }
0x66: {  	[hbm4b:s4+s2] =	stream.indirect_vreg.scatter [tilespmem:s26], [sflag:$0x1], $0x80, v4, vm0, $0xb8;
	[tilespmem:$0xE080] =	vst v63  }
0x67: {  	_ = 	snop  }
0x68: {  	[hbm4b:s5+s2] =	stream.indirect_vreg.scatter [tilespmem:s28], [sflag:$0x1], $0x80, v4, vm0, $0xb8;
	[tilespmem:$0xE080] =	vst v63  }
0x69: {  	_ = 	snop  }
0x6a: {  	[hbm4b:s3+s2] =	stream.indirect_vreg.scatter [tilespmem:s29], [sflag:$0x1], $0x80, v3, vm0, $0xb8;
	[tilespmem:$0xE080] =	vst v63  }
0x6b: {  	_ = 	snop  }
0x6c: {  	[hbm4b:s4+s2] =	stream.indirect_vreg.scatter [tilespmem:s30], [sflag:$0x1], $0x80, v3, vm0, $0xb8;
	[tilespmem:$0xE080] =	vst v63  }
0x6d: {  	_ = 	snop  }
0x6e: {  	[hbm4b:s5+s2] =	stream.indirect_vreg.scatter [tilespmem:s31], [sflag:$0x1], $0x80, v3, vm0, $0xb8;
	[tilespmem:$0xE080] =	vst v63  }
0x6f: {  	_ =	swait.ge [sflag:s7], $0xC000  }
0x70: {  	p0 =	sne.s32 s6, $0x1;
	[sflag:s7] =	ssyncset.done $0x0  }
.Ltmp0:
0x71: {  	s10 =	rddreg [dreg:$0x4];
	[sflag:s7] =	ssyncadd.s32 $0xFFFF4000;
	(pc) =	sbr.rel @p0 .LBB2_1-.Ltmp0, $4  }
0x72: {  	[hbm4b:s10+s1] =	stream.indirect.scatter [tilespmem:s9], [sflag:$0x1], $0x80, s2, s1, $0xb8;
	[tilespmem:$0xE080] =	vst v63  }
0x73: {  	_ =	swait.ge [sflag:s7], $0x2000  }
0x74: {  	[sflag:s7] =	ssyncset.done $0x0  }
0x75: {  	s6 =	sadd.s32 $0xFFFFFFFF, s6;
	[sflag:s7] =	ssyncadd.s32 $0xFFFFE000  }
0x76: {  	_ =	sfence.sel $0x180000  }
0x77: {  	[bflag:$0x0] =	sbarrier.arrive $0xFFFF  }
0x78: {  	_ =	strace $0x90000047  }
0x79: {  	s0 =	stileid.u32;
	[bflag:$0x2] =	sbarrier.arrive $0xFFFF  }
0x7a: {  	p0 =	sne.s32 s0, $0x0;
	s0 =	rddreg [dreg:$0x3]  }
0x7b: {  	s0 =	sadd.s32 @!p0 $0x100000, s0  }
0x7c: {  	[sflag:s0] =	ssyncadd.tile.s32 @!p0 $0x1;
	_ =	shalt  }
.Lfunc_end2:
_tile_overlayer_lowered:
.L_overlay_start_2:
0x7d: {  	(tag) =	ssettag $0x2  }
0x7e: {  	s0 =	rddreg [dreg:$0x0];
	s2 =	stileid.u32  }
0x7f: {  	s1 =	rddreg [dreg:$0x1];
	p0 =	sne.s32 s2, $0x0  }
0x80: {  	s3 =	rddreg [dreg:$0x2];
	[bflag:$0x3] =	sbarrier.arrive $0xFFFF;
	s2 =	simm.s32 @!p0 $0x1C01  }
0x81: {  	[timem:s3], [sflag:s2] =	dma.local @!p0 [hbm:s0], s1  }
0x82: {  	s0 =	simm.s32 @!p0 $0x1  }
0x83: {  	_ =	swait.ge @!p0 [sflag:s0], s1  }
0x84: {  	s1 =	ssub.s32 @!p0 $0x0, s1;
	[sflag:s0] =	ssyncset.done @!p0 $0x0  }
0x85: {  	[sflag:s0] =	ssyncadd.s32 @!p0 s1  }
0x86: {  	[bflag:$0x3] =	sbarrier.arrive $0xFFFF  }
0x87: {  	_ =	shalt  }

// kernel: kernel.8.cloned.1.call-start
scs
__scs_entry_jumppad:
0x0: {  	(pc) =	sbr.rel $0x88, $3  }
0x1: {  	(tag) =	ssettag $0x0;
	lr =	simm.s32 $0x1  }
0x2: {  	[smem:$0x3F9B] =	sst lr;
	_ =	strace $0xD0000000  }
0x3: {  	_ = 	snop  }
0x4: {  	_ = 	snop  }
0x5: {  	_ = 	snop  }
0x6: {  	_ = 	snop  }
0x7: {  	_ = 	snop  }
__scs_overlays_trampoline_lowered:
0x8: {  	[smem:$0x3FAA] =	sst s0  }
0x9: {  	[smem:$0x3FAB] =	sst s1  }
0xa: {  	[smem:$0x3FAC] =	sst s2  }
0xb: {  	[smem:$0x3FAD] =	sst s3  }
0xc: {  	[smem:$0x3FAE] =	sst s4  }
0xd: {  	[smem:$0x3FAF] =	sst s5  }
0xe: {  	[smem:$0x3FB0] =	sst s6  }
0xf: {  	[smem:$0x3FB1] =	sst s7  }
0x10: {  	[smem:$0x3FB2] =	sst s8  }
0x11: {  	[smem:$0x3FB3] =	sst s9;
	s0 =	simm.s32 @!p0 $0x0  }
0x12: {  	s1 =	sld [smem:$0x3F99];
	s0 =	simm.s32 @p0 $0x1  }
0x13: {  	[smem:$0x3FB4] =	sst s0;
	s0 =	simm.s32 @!p1 $0x0  }
0x14: {  	s2 =	sld [smem:$0x3F98];
	s0 =	simm.s32 @p1 $0x1  }
0x15: {  	[smem:$0x3FB5] =	sst s0;
	s0 =	simm.s32 @!p2 $0x0  }
0x16: {  	s3 =	sld [smem:$0x3FDB];
	s0 =	simm.s32 @p2 $0x1  }
0x17: {  	s4 =	simm.s32 $0x1BF5;
	[smem:$0x3FB7] =	sst s0  }
0x18: {  	s0 =	sld [smem:$0x3F9A];
	_ =	swait.ge [sflag:s4], $0x0  }
0x19: {  	s7 =	sld [smem:$0x3F9B]  }
0x1a: {  	s8 =	sadd.s32 $0xFFFFE003, lr  }
0x1b: {  	s9 =	sadd.s32 $0xFFFFFEF7, lr;
	s5 =	simm.s32 $0xFFFFFFFF;
	p2 =	slt.u32 s8, $0xFFFFF086  }
0x1c: {  	p1 =	slt.u32 s9, $0xF7A;
	s5 =	simm.s32 @!p2 $0x0  }
0x1d: {  	s5 =	simm.s32 @p1 $0x1;
	p0 =	seq.s32 s7, s2  }
0x1e: {  	s7 =	smul.u32 @!p0 $0xF7A, s2;
	p2 =	seq.s32 @!p0 s5, $0x0  }
0x1f: {  	s9 =	smul.u32 $0xF7A, s1;
	s8 =	simm.s32 @!p0 $0x1BF5;
	p2 =	por !p2, p0  }
0x20: {  	[sflag:s8] =	ssyncset.s32 @!p0 $0xFFFFF086;
	s6 =	sadd.s32 @!p0 s3, s7;
	s7 =	simm.s32 @!p0 $0x108  }
0x21: {  	s3 =	sadd.s32 s3, s9;
	s6 =	sadd.s32 @!p0 $0x88, s6;
	s7 =	simm.s32 @p2 $0x1082  }
0x22: {  	[simem:s7], [sflag:s8] =	dma.local @!p0 [hbm:s6], $0xF7A  }
0x23: {  	s9 =	sor.u32 $0xD0000000, s2;
	s6 =	simm.s32 $0x108;
	_ =	swait.ge @!p0 [sflag:s8], $0x0  }
0x24: {  	s3 =	sadd.s32 $0x88, s3;
	s6 =	simm.s32 @!p1 $0x1082;
	[sflag:s4] =	ssyncset.s32 $0xFFFFF086  }
0x25: {  	[simem:s6], [sflag:s4] =	dma.local [hbm:s3], $0xF7A  }
0x26: {  	[smem:$0x3F9B] =	sst s1;
	(tag) =	ssettag s2;
	_ =	strace s9  }
0x27: {  	s1 =	sld [smem:$0x3FAB]  }
0x28: {  	s2 =	sld [smem:$0x3FAC]  }
0x29: {  	s4 =	sld [smem:$0x3FAE]  }
0x2a: {  	p0 =	seq.s32 s5, $0x0;
	s5 =	sld [smem:$0x3FAF]  }
0x2b: {  	s6 =	sld [smem:$0x3FB0]  }
0x2c: {  	s7 =	sld [smem:$0x3FB1]  }
0x2d: {  	s3 =	simm.s32 $0x108;
	s8 =	sld [smem:$0x3FB2]  }
0x2e: {  	s3 =	simm.s32 @!p0 $0x1082;
	s9 =	sld [smem:$0x3FB3]  }
0x2f: {  	lr =	sadd.s32 s0, s3;
	s0 =	sld [smem:$0x3FAA]  }
0x30: {  	s3 =	sld [smem:$0x3FAD]  }
0x31: {  	[smem:$0x3FB6] =	sst s10  }
0x32: {  	s10 =	sld [smem:$0x3FB4];
	_ =	sdelay $0x3  }
0x33: {  	p0 =	seq.s32 s10, $0x1;
	s10 =	sld [smem:$0x3FB6];
	_ =	sdelay $0x3  }
0x34: {  	[smem:$0x3FB6] =	sst s10  }
0x35: {  	s10 =	sld [smem:$0x3FB5];
	_ =	sdelay $0x3  }
0x36: {  	p1 =	seq.s32 s10, $0x1;
	s10 =	sld [smem:$0x3FB6];
	_ =	sdelay $0x3  }
0x37: {  	[smem:$0x3FB6] =	sst s10  }
0x38: {  	s10 =	sld [smem:$0x3FB7]  }
0x39: {  	_ = 	snop;
	(pc) =	sbr.ind lr, $3  }
0x3a: {  	_ = 	snop  }
0x3b: {  	_ = 	snop  }
0x3c: {  	p2 =	seq.s32 s10, $0x1;
	s10 =	sld [smem:$0x3FB6]  }
0x3d: {  	_ =	shalt  }
0x3e: {  	_ =	shalt  }
0x3f: {  	_ =	shalt  }
0x40: {  	_ =	shalt  }
0x41: {  	_ =	shalt  }
0x42: {  	_ =	shalt  }
0x43: {  	_ =	shalt  }
0x44: {  	_ =	shalt  }
0x45: {  	_ =	shalt  }
0x46: {  	_ =	shalt  }
0x47: {  	_ =	shalt  }
0x48: {  	_ =	shalt  }
0x49: {  	_ =	shalt  }
0x4a: {  	_ =	shalt  }
0x4b: {  	_ =	shalt  }
0x4c: {  	_ =	shalt  }
0x4d: {  	_ =	shalt  }
0x4e: {  	_ =	shalt  }
0x4f: {  	_ =	shalt  }
0x50: {  	_ =	shalt  }
0x51: {  	_ =	shalt  }
0x52: {  	_ =	shalt  }
0x53: {  	_ =	shalt  }
0x54: {  	_ =	shalt  }
0x55: {  	_ =	shalt  }
0x56: {  	_ =	shalt  }
0x57: {  	_ =	shalt  }
0x58: {  	_ =	shalt  }
0x59: {  	_ =	shalt  }
0x5a: {  	_ =	shalt  }
0x5b: {  	_ =	shalt  }
0x5c: {  	_ =	shalt  }
0x5d: {  	_ =	shalt  }
0x5e: {  	_ =	shalt  }
0x5f: {  	_ =	shalt  }
0x60: {  	_ =	shalt  }
0x61: {  	_ =	shalt  }
0x62: {  	_ =	shalt  }
0x63: {  	_ =	shalt  }
0x64: {  	_ =	shalt  }
0x65: {  	_ =	shalt  }
0x66: {  	_ =	shalt  }
0x67: {  	_ =	shalt  }
0x68: {  	_ =	shalt  }
0x69: {  	_ =	shalt  }
0x6a: {  	_ =	shalt  }
0x6b: {  	_ =	shalt  }
0x6c: {  	_ =	shalt  }
0x6d: {  	_ =	shalt  }
0x6e: {  	_ =	shalt  }
0x6f: {  	_ =	shalt  }
0x70: {  	_ =	shalt  }
0x71: {  	_ =	shalt  }
0x72: {  	_ =	shalt  }
0x73: {  	_ =	shalt  }
0x74: {  	_ =	shalt  }
0x75: {  	_ =	shalt  }
0x76: {  	_ =	shalt  }
0x77: {  	_ =	shalt  }
0x78: {  	_ =	shalt  }
0x79: {  	_ =	shalt  }
0x7a: {  	_ =	shalt  }
0x7b: {  	_ =	shalt  }
0x7c: {  	_ =	shalt  }
0x7d: {  	_ =	shalt  }
0x7e: {  	_ =	shalt  }
0x7f: {  	_ =	shalt  }
0x80: {  	_ =	shalt  }
0x81: {  	_ =	shalt  }
0x82: {  	_ =	shalt  }
0x83: {  	_ =	shalt  }
0x84: {  	_ =	shalt  }
0x85: {  	_ =	shalt  }
0x86: {  	_ =	shalt  }
0x87: {  	_ =	shalt  }
.Lfunc_end0:
.L_simem_size_0:
called_computation.1_lowered:
.L_overlay_start_0:
0x88: {  	s2 =	sld [smem:$0x3FD9]  }
0x89: {  	s3 =	sld [smem:$0x3FFE];
	_ =	sdelay $0x1  }
0x8a: {  	s1 =	srdreg.scid  }
0x8b: {  	s0 =	sand.u32 $0x1, s1  }
0x8c: {  	s17 =	sshll.u32 s0, $0xA;
	s2 =	sadd.s32 s3, s2  }
0x8d: {  	s2 =	sadd.s32 s2, s17  }
0x8e: {  	[smem:$0x3FC2] =	sst s2  }
0x8f: {  	_ = 	snop  }
0x90: {  	s2 =	sld [smem:$0x3FD0];
	(tm) =	ssettm $0x1  }
0x91: {  	s18 =	sld [smem:$0x3FFB];
	_ =	sdelay $0x3  }
0x92: {  	_ =	strace s18  }
0x93: {  	s3 =	sld [smem:$0x3FFC];
	_ =	sdelay $0x3  }
0x94: {  	_ =	strace s3  }
0x95: {  	s3 =	sld [smem:$0x3FFD];
	_ =	sdelay $0x3  }
0x96: {  	_ =	strace s3  }
0x97: {  	_ =	strace $0x8FFFFFFF  }
0x98: {  	s19 =	sld [smem:$0x3FDB];
	_ =	sdelay $0x1  }
0x99: {  	s4 =	simm.s32 $_scs_section_size  }
0x9a: {  	s5 =	simm.s32 $_size__tile_overlayer_lowered;
	s6 =	simm.s32 $_tile_overlayer_lowered  }
0x9b: {  	s22 =	simm.s32 $0x1BFF;
	s21 =	sshll.u32 s6, $0x1;
	s3 =	sadd.s32 s4, s19  }
0x9c: {  	s7 =	simm.s32 $0x0;
	s20 =	sshll.u32 s5, $0x1;
	s5 =	sadd.s32 s21, s3  }
0x9d: {  	[timem:s7], [sflag:s22] =	dma.local [hbm:s5], s20  }
0x9e: {  	_ =	swait.ge [sflag:s22], s20  }
0x9f: {  	s4 =	ssub.s32 $0x0, s20;
	[sflag:s22] =	ssyncset.done $0x0  }
0xa0: {  	[sflag:s22] =	ssyncadd.s32 s4;
	_ =	sdelay $0x1  }
0xa1: {  	s23 =	simm.s32 $0x1B8B  }
0xa2: {  	_ =	swait.ge [sflag:s23], $0x1  }
0xa3: {  	[sflag:s23] =	ssyncset.done $0x0  }
0xa4: {  	s25 =	simm.s32 $0x1B8E;
	s24 =	sld [smem:$0x3FFE];
	[sflag:s23] =	ssyncadd.s32 $0xFFFFFFFF  }
0xa5: {  	s26 =	simm.s32 $execute0_lowered;
	[smem:$0x3FD2] =	sst s25  }
0xa6: {  	s5 =	sshll.u32 s26, $0x1;
	_ =	strace $0x80000049;
	[dreg:$0x1] =	wrdreg $0xFFFFFFFF  }
0xa7: {  	s28 =	simm.s32 $_size_execute0_lowered;
	s3 =	sadd.s32 s3, s5;
	[dreg:$0x0] =	wrdreg $0x0  }
0xa8: {  	s5 =	sshll.u32 s28, $0x1;
	[dreg:$0x2] =	wrdreg s3  }
0xa9: {  	[dreg:$0x3] =	wrdreg s5  }
0xaa: {  	[dreg:$0x4] =	wrdreg $0xC0  }
0xab: {  	_ =	task [dreg:s7], $0x5FFFF  }
0xac: {  	[dreg:$0x1] =	wrdreg $0xFFFFFFFF  }
0xad: {  	[dreg:$0x0] =	wrdreg $0x60  }
0xae: {  	[dreg:$0x2] =	wrdreg s24  }
0xaf: {  	[dreg:$0x3] =	wrdreg s2  }
0xb0: {  	[dreg:$0x4] =	wrdreg $0x9  }
0xb1: {  	_ =	task.clear_ibuf [dreg:s7], $0x5FFFF;
	_ =	strace $0x90000049  }
0xb2: {  	s29 =	simm.s32 $0x9;
	_ =	strace $0x8000004B  }
0xb3: {  	_ =	swait.ge [sflag:s29], $0x1  }
0xb4: {  	[sflag:s29] =	ssyncadd.s32 $0xFFFFFFFF  }
0xb5: {  	_ =	strace $0x9000004B  }
0xb6: {  	_ =	sfence  }
0xb7: {  	s30 =	sld [smem:$0x0];
	_ =	sdelay $0x2  }
0xb8: {  	s31 =	sshll.u32 s1, $0xD;
	s1 =	sshrl.u32 s1, $0x2  }
0xb9: {  	s3 =	sand.u32 $0x4000, s31;
	s1 =	sadd.s32 s1, s30  }
0xba: {  	s0 =	sor.u32 s3, s0;
	s1 =	sshll.u32 s1, $0x11  }
0xbb: {  	s0 =	sor.u32 s1, s0  }
0xbc: {  	s0 =	sadd.s32 $0x8F2B, s0  }
0xbd: {  	[sflag:s0] =	ssyncadd.remote.s32 $0x1  }
0xbe: {  	_ =	sfence.sel $0xFFFF  }
0xbf: {  	[dreg:$0x0] =	wrdreg $0xFFFFFFFF;
	(pc) =	sbr.abs _section_cstart, $3  }
0xc0: {  	[dreg:$0x1] =	wrdreg $0xFFFFFFFF  }
0xc1: {  	_ =	task.clear_ibuf [dreg:s7], $0x2FFFF;
	_ =	strace $0x9FFFFFFF  }
0xc2: {  	(tm) =	ssettm $0x7FFFFFFF  }
0xc3: {  	_ =	shalt  }
tec
execute0_lowered:
.L_overlay_start_1:
0x0: {  	(tag) =	ssettag $0x1  }
0x1: {  	s0 =	rddreg [dreg:$0x0]  }
0x2: {  	s6 =	rddreg [dreg:$0x1];
	s3 =	srdreg.scid  }
0x3: {  	s2 =	simm.s32 $0x0;
	s1 =	stileid.u32;
	s9 =	simm.s32 $0x880  }
0x4: {  	s10 =	simm.s32 $0x1080;
	s11 =	simm.s32 $0x1880;
	s12 =	simm.s32 $0x2080  }
0x5: {  	s13 =	simm.s32 $0x2880;
	s14 =	simm.s32 $0x3080;
	s15 =	simm.s32 $0x3880  }
0x6: {  	s16 =	simm.s32 $0x4080;
	s17 =	simm.s32 $0x4880;
	s18 =	simm.s32 $0x5080  }
0x7: {  	s19 =	simm.s32 $0x5880;
	s20 =	simm.s32 $0x6080;
	s21 =	simm.s32 $0x6880  }
0x8: {  	s22 =	simm.s32 $0x7080;
	s23 =	simm.s32 $0x7880;
	s28 =	simm.s32 $0x9880  }
0x9: {  	s29 =	simm.s32 $0xA080;
	s30 =	simm.s32 $0xA880;
	s31 =	simm.s32 $0xB080  }
0xa: {  	s3 =	sand.u32 $0x1, s3;
	[smem:$0x7FF] =	sst s2;
	s4 =	sshll.u32 s1, $0x4  }
0xb: {  	s5 =	sshll.u32 s3, $0x3;
	_ =	strace $0x8000004A;
	s7 =	ssub.s32 $0x2, s3  }
0xc: {  	s3 =	sadd.s32 $0xF8200, s0;
	s24 =	sor.u32 s5, s4;
	s25 =	sshrl.u32 s7, $0x1  }
0xd: {  	s4 =	sadd.s32 $0xF8300, s0;
	s5 =	sadd.s32 s0, s24;
	s8 =	smul.u32 $0x300, s24  }
0xe: {  	s7 =	ssub.s32 s7, s25;
	s24 =	simm.s32 $0x8080;
	s25 =	simm.s32 $0x8880  }
0xf: {  	v2 =	vlaneseq.u32;
	[dreg:$0x3] =	wrdreg s5;
	s5 =	sadd.s32 $0xF8400, s0;
	s0 =	simm.s32 $0xB880  }
0x10: {  	vm0 =	vmmov $0xffff;
	v1 =	vshrl.u32 v2, $0x3;
	s26 =	sadd.s32 s6, s8;
	s6 =	smax.u32 s7, $0x1;
	s7 =	simm.s32 $0x1  }
0x11: {  	v0 =	vand.u32 $0x7, v2;
	v2 =	vor.u32 $0x8, v2;
	v1 =	vmul.u32 $0x8, v1;
	s8 =	simm.s32 $0x80;
	[dreg:$0x4] =	wrdreg s26;
	s26 =	simm.s32 $0x9080  }
.LBB2_1:
0x12: {  	s1 =	rddreg [dreg:$0x3]  }
0x13: {  	[tilespmem:s2], [sflag:$0x1] =	stream.linear.gather [hbm4b:s1+s2], $0x40, $0x38;
	[tilespmem:$0xC080] =	vst v63  }
0x14: {  	_ =	swait.ge [sflag:s7], $0x40  }
0x15: {  	[sflag:s7] =	ssyncset.done $0x0  }
0x16: {  	[sflag:s7] =	ssyncadd.s32 $0xFFFFFFC0  }
0x17: {  	v3 =	vld [tilespmem:$0x0];
	_ =	sdelay $0x4  }
0x18: {  	v4 =	vshrl.u32 v3, $0x3  }
0x19: {  	v4 =	vmul.u32 $0x30, v4  }
0x1a: {  	v3 =	vand.u32 $0x7, v3  }
0x1b: {  	v3 =	vor.u32 v3, v4  }
0x1c: {  	v4 =	vperm.xlane v3, v0;
	_ =	sdelay $0x1  }
0x1d: {  	v4 =	vadd.s32 v1, v4;
	_ =	sdelay $0x3  }
0x1e: {  	v3 =	vperm.xlane v3, v2  }
0x1f: {  	[tilespmem:s8], [sflag:$0x1] =	stream.indirect_vreg.gather [hbm4b:s3+s2], $0x80, v4, vm0, $0xb8;
	[tilespmem:$0xC080] =	vst v63  }
0x20: {  	v3 =	vadd.s32 v1, v3  }
0x21: {  	[tilespmem:s9], [sflag:$0x1] =	stream.indirect_vreg.gather [hbm4b:s4+s2], $0x80, v4, vm0, $0xb8;
	[tilespmem:$0xC080] =	vst v63  }
0x22: {  	_ = 	snop  }
0x23: {  	[tilespmem:s10], [sflag:$0x1] =	stream.indirect_vreg.gather [hbm4b:s5+s2], $0x80, v4, vm0, $0xb8;
	[tilespmem:$0xC080] =	vst v63  }
0x24: {  	_ = 	snop  }
0x25: {  	[tilespmem:s11], [sflag:$0x1] =	stream.indirect_vreg.gather [hbm4b:s3+s2], $0x80, v3, vm0, $0xb8;
	[tilespmem:$0xC080] =	vst v63  }
0x26: {  	_ = 	snop  }
0x27: {  	[tilespmem:s12], [sflag:$0x1] =	stream.indirect_vreg.gather [hbm4b:s4+s2], $0x80, v3, vm0, $0xb8;
	[tilespmem:$0xC080] =	vst v63  }
0x28: {  	_ = 	snop  }
0x29: {  	[tilespmem:s13], [sflag:$0x1] =	stream.indirect_vreg.gather [hbm4b:s5+s2], $0x80, v3, vm0, $0xb8;
	[tilespmem:$0xC080] =	vst v63  }
0x2a: {  	v3 =	vld [tilespmem:$0x10];
	_ =	sdelay $0x4  }
0x2b: {  	v61 =	vshrl.u32 v3, $0x3  }
0x2c: {  	v4 =	vmul.u32 $0x30, v61  }
0x2d: {  	v3 =	vand.u32 $0x7, v3  }
0x2e: {  	v3 =	vor.u32 v3, v4  }
0x2f: {  	v4 =	vperm.xlane v3, v0;
	_ =	sdelay $0x1  }
0x30: {  	v4 =	vadd.s32 v1, v4;
	_ =	sdelay $0x3  }
0x31: {  	v3 =	vperm.xlane v3, v2  }
0x32: {  	[tilespmem:s14], [sflag:$0x1] =	stream.indirect_vreg.gather [hbm4b:s3+s2], $0x80, v4, vm0, $0xb8;
	[tilespmem:$0xC080] =	vst v63  }
0x33: {  	v3 =	vadd.s32 v1, v3  }
0x34: {  	[tilespmem:s15], [sflag:$0x1] =	stream.indirect_vreg.gather [hbm4b:s4+s2], $0x80, v4, vm0, $0xb8;
	[tilespmem:$0xC080] =	vst v63  }
0x35: {  	_ = 	snop  }
0x36: {  	[tilespmem:s16], [sflag:$0x1] =	stream.indirect_vreg.gather [hbm4b:s5+s2], $0x80, v4, vm0, $0xb8;
	[tilespmem:$0xC080] =	vst v63  }
0x37: {  	_ = 	snop  }
0x38: {  	[tilespmem:s17], [sflag:$0x1] =	stream.indirect_vreg.gather [hbm4b:s3+s2], $0x80, v3, vm0, $0xb8;
	[tilespmem:$0xC080] =	vst v63  }
0x39: {  	_ = 	snop  }
0x3a: {  	[tilespmem:s18], [sflag:$0x1] =	stream.indirect_vreg.gather [hbm4b:s4+s2], $0x80, v3, vm0, $0xb8;
	[tilespmem:$0xC080] =	vst v63  }
0x3b: {  	_ = 	snop  }
0x3c: {  	[tilespmem:s19], [sflag:$0x1] =	stream.indirect_vreg.gather [hbm4b:s5+s2], $0x80, v3, vm0, $0xb8;
	[tilespmem:$0xC080] =	vst v63  }
0x3d: {  	v3 =	vld [tilespmem:$0x20];
	_ =	sdelay $0x4  }
0x3e: {  	v62 =	vshrl.u32 v3, $0x3  }
0x3f: {  	v4 =	vmul.u32 $0x30, v62  }
0x40: {  	v3 =	vand.u32 $0x7, v3  }
0x41: {  	v3 =	vor.u32 v3, v4  }
0x42: {  	v4 =	vperm.xlane v3, v0;
	_ =	sdelay $0x1  }
0x43: {  	v4 =	vadd.s32 v1, v4;
	_ =	sdelay $0x3  }
0x44: {  	v3 =	vperm.xlane v3, v2  }
0x45: {  	[tilespmem:s20], [sflag:$0x1] =	stream.indirect_vreg.gather [hbm4b:s3+s2], $0x80, v4, vm0, $0xb8;
	[tilespmem:$0xC080] =	vst v63  }
0x46: {  	v3 =	vadd.s32 v1, v3  }
0x47: {  	[tilespmem:s21], [sflag:$0x1] =	stream.indirect_vreg.gather [hbm4b:s4+s2], $0x80, v4, vm0, $0xb8;
	[tilespmem:$0xC080] =	vst v63  }
0x48: {  	_ = 	snop  }
0x49: {  	[tilespmem:s22], [sflag:$0x1] =	stream.indirect_vreg.gather [hbm4b:s5+s2], $0x80, v4, vm0, $0xb8;
	[tilespmem:$0xC080] =	vst v63  }
0x4a: {  	_ = 	snop  }
0x4b: {  	[tilespmem:s23], [sflag:$0x1] =	stream.indirect_vreg.gather [hbm4b:s3+s2], $0x80, v3, vm0, $0xb8;
	[tilespmem:$0xC080] =	vst v63  }
0x4c: {  	_ = 	snop  }
0x4d: {  	[tilespmem:s24], [sflag:$0x1] =	stream.indirect_vreg.gather [hbm4b:s4+s2], $0x80, v3, vm0, $0xb8;
	[tilespmem:$0xC080] =	vst v63  }
0x4e: {  	_ = 	snop  }
0x4f: {  	[tilespmem:s25], [sflag:$0x1] =	stream.indirect_vreg.gather [hbm4b:s5+s2], $0x80, v3, vm0, $0xb8;
	[tilespmem:$0xC080] =	vst v63  }
0x50: {  	v3 =	vld [tilespmem:$0x30];
	_ =	sdelay $0x4  }
0x51: {  	v63 =	vshrl.u32 v3, $0x3  }
0x52: {  	v4 =	vmul.u32 $0x30, v63  }
0x53: {  	v3 =	vand.u32 $0x7, v3  }
0x54: {  	v3 =	vor.u32 v3, v4  }
0x55: {  	v4 =	vperm.xlane v3, v0;
	_ =	sdelay $0x1  }
0x56: {  	v4 =	vadd.s32 v1, v4;
	_ =	sdelay $0x3  }
0x57: {  	v3 =	vperm.xlane v3, v2  }
0x58: {  	[tilespmem:s26], [sflag:$0x1] =	stream.indirect_vreg.gather [hbm4b:s3+s2], $0x80, v4, vm0, $0xb8;
	[tilespmem:$0xC080] =	vst v63  }
0x59: {  	v3 =	vadd.s32 v1, v3  }
0x5a: {  	[tilespmem:s28], [sflag:$0x1] =	stream.indirect_vreg.gather [hbm4b:s4+s2], $0x80, v4, vm0, $0xb8;
	[tilespmem:$0xC080] =	vst v63  }
0x5b: {  	_ = 	snop  }
0x5c: {  	[tilespmem:s29], [sflag:$0x1] =	stream.indirect_vreg.gather [hbm4b:s5+s2], $0x80, v4, vm0, $0xb8;
	[tilespmem:$0xC080] =	vst v63  }
0x5d: {  	_ = 	snop  }
0x5e: {  	[tilespmem:s30], [sflag:$0x1] =	stream.indirect_vreg.gather [hbm4b:s3+s2], $0x80, v3, vm0, $0xb8;
	[tilespmem:$0xC080] =	vst v63  }
0x5f: {  	_ = 	snop  }
0x60: {  	[tilespmem:s31], [sflag:$0x1] =	stream.indirect_vreg.gather [hbm4b:s4+s2], $0x80, v3, vm0, $0xb8;
	[tilespmem:$0xC080] =	vst v63  }
0x61: {  	_ = 	snop  }
0x62: {  	[tilespmem:s0], [sflag:$0x1] =	stream.indirect_vreg.gather [hbm4b:s5+s2], $0x80, v3, vm0, $0xb8;
	[tilespmem:$0xC080] =	vst v63  }
0x63: {  	_ =	swait.ge [sflag:s7], $0xC000  }
0x64: {  	p0 =	sne.s32 s6, $0x1;
	[sflag:s7] =	ssyncset.done $0x0  }
.Ltmp0:
0x65: {  	s1 =	rddreg [dreg:$0x4];
	[sflag:s7] =	ssyncadd.s32 $0xFFFF4000;
	(pc) =	sbr.rel @p0 .LBB2_1-.Ltmp0, $4  }
0x66: {  	[hbm4b:s1+s2] =	stream.linear.scatter [tilespmem:s8], [sflag:$0x1], $0xC000, $0x38;
	[tilespmem:$0xC080] =	vst v63  }
0x67: {  	_ =	swait.ge [sflag:s7], $0xC000  }
0x68: {  	[sflag:s7] =	ssyncset.done $0x0  }
0x69: {  	s6 =	sadd.s32 $0xFFFFFFFF, s6;
	[sflag:s7] =	ssyncadd.s32 $0xFFFF4000  }
0x6a: {  	_ =	sfence.sel $0x180000  }
0x6b: {  	[bflag:$0x0] =	sbarrier.arrive $0xFFFF  }
0x6c: {  	_ =	strace $0x9000004A  }
0x6d: {  	s0 =	stileid.u32;
	[bflag:$0x2] =	sbarrier.arrive $0xFFFF  }
0x6e: {  	p0 =	sne.s32 s0, $0x0;
	s0 =	rddreg [dreg:$0x2]  }
0x6f: {  	s0 =	sadd.s32 @!p0 $0x100000, s0  }
0x70: {  	[sflag:s0] =	ssyncadd.tile.s32 @!p0 $0x1;
	_ =	shalt  }
.Lfunc_end2:
_tile_overlayer_lowered:
.L_overlay_start_2:
0x71: {  	(tag) =	ssettag $0x2  }
0x72: {  	s0 =	rddreg [dreg:$0x0];
	s2 =	stileid.u32  }
0x73: {  	s1 =	rddreg [dreg:$0x1];
	p0 =	sne.s32 s2, $0x0  }
0x74: {  	s3 =	rddreg [dreg:$0x2];
	[bflag:$0x3] =	sbarrier.arrive $0xFFFF;
	s2 =	simm.s32 @!p0 $0x1C01  }
0x75: {  	[timem:s3], [sflag:s2] =	dma.local @!p0 [hbm:s0], s1  }
0x76: {  	s0 =	simm.s32 @!p0 $0x1  }
0x77: {  	_ =	swait.ge @!p0 [sflag:s0], s1  }
0x78: {  	s1 =	ssub.s32 @!p0 $0x0, s1;
	[sflag:s0] =	ssyncset.done @!p0 $0x0  }
0x79: {  	[sflag:s0] =	ssyncadd.s32 @!p0 s1  }
0x7a: {  	[bflag:$0x3] =	sbarrier.arrive $0xFFFF  }
0x7b: {  	_ =	shalt  }

</sc_bundles>
